<compile_context>
chip_gen: v7x
topology: tpu7x:2x2x1
jax: 0.10.2.dev20260603
libtpu: 0.0.44.dev20260713+nightly
codegen_flags: <defaults>
</compile_context>

<pallas_src>
import jax
import jax.numpy as jnp
from jax import lax
from jax.experimental import pallas as pl
from jax.experimental.pallas import tpu as pltpu
from jax.experimental.pallas import tpu_sc as plsc

_FIELD = 38462
_NF = 26
_D = 16
_BATCH = 4096
_B = _BATCH * _NF
_N = _FIELD * _NF
_NC, _NS = 2, 16
_NW = _NC * _NS
_BPW = _B // _NW
_CH = 128
_NCH = _BPW // _CH
_GK = 1.0


def _body(x_hbm, v_hbm, s_hbm, out_hbm, idx_v, rows_v, s_v, sem_g):
    wid = lax.axis_index("s") * _NC + lax.axis_index("c")
    base = wid * _BPW

    pltpu.sync_copy(x_hbm.at[pl.ds(base, _BPW)], idx_v)
    pltpu.sync_copy(s_hbm, s_v)

    def _off(k, c):
        p0 = base + k * 16
        off = lax.shift_right_logical(p0, 12) * _FIELD
        sl = pl.ds(k * 16, 16)
        idx_v[sl] = idx_v[sl] + lax.broadcast(off, (16,))
        return c

    lax.fori_loop(0, _BPW // 16, _off, 0)

    def _gat(j):
        return pltpu.make_async_copy(
            v_hbm.at[idx_v.at[pl.ds(j * _CH, _CH)]],
            rows_v.at[pl.ds(j * _CH, _CH)],
            sem_g,
        )

    def _fire(j, c):
        _gat(j).start()
        return c

    lax.fori_loop(0, _NCH, _fire, 0)

    sv = s_v[...]
    t = _GK / (1.0 + jnp.exp(-sv))
    tneg = -t

    def _drain(j, c):
        _gat(j).wait()
        return c

    lax.fori_loop(0, _NCH, _drain, 0)

    def _row(i, c):
        g = rows_v[i, :]
        rows_v[i, :] = g - jnp.minimum(jnp.maximum(g, tneg), t)
        return c

    lax.fori_loop(0, _BPW, _row, 0)

    pltpu.sync_copy(rows_v, out_hbm.at[pl.ds(base, _BPW)])


def kernel(x, v, s):
    xf = x.T.reshape(-1)
    v_lin = lax.optimization_barrier(v.reshape(-1))
    v2 = v_lin.reshape(_N, _D)
    mesh = plsc.VectorSubcoreMesh(core_axis_name="c", subcore_axis_name="s")
    f = pl.kernel(
        _body,
        out_type=jax.ShapeDtypeStruct((_B, _D), jnp.float32),
        mesh=mesh,
        compiler_params=pltpu.CompilerParams(use_tc_tiling_on_sc=False),
        scratch_types=[
            pltpu.VMEM((_BPW,), jnp.int32),
            pltpu.VMEM((_BPW, _D), jnp.float32),
            pltpu.VMEM((_D,), jnp.float32),
            pltpu.SemaphoreType.DMA,
        ],
    )
    out2d = f(xf, v2, s)
    return out2d.reshape(_NF, _BATCH, _D).transpose(1, 0, 2)

# --- scband reference (transcript-rebuilt; emitter-appended) ---
"""Pipeline reference for scband-pepembedding-81020263071809 (READ-ONLY COPY).

The authoritative reference and input builder live on the scoring server;
editing this copy changes nothing except your own understanding.
"""

import jax, jax.numpy as jnp
import numpy as np

FIELD_DIMS = [38462] * 26
FEATURE_NUM = sum(FIELD_DIMS)
LATENT_DIM = 16
GK = 1.0
THRESHOLD_INIT = -15.0
OFFSETS = np.array((0, *np.cumsum(FIELD_DIMS)[:-1]), dtype=np.int32)


def setup_inputs(seed: int = 0) -> dict:
    key = jax.random.key(seed)
    k1, k2 = jax.random.split(key)
    # raw per-field indices, each in [0, field_dim)
    x = jax.random.randint(k1, (4096, 26), 0, 38462, dtype=jnp.int32)
    # embedding table v, xavier_uniform init
    a = float(np.sqrt(6.0 / (FEATURE_NUM + LATENT_DIM)))
    v = jax.random.uniform(k2, (FEATURE_NUM, LATENT_DIM), minval=-a, maxval=a, dtype=jnp.float32)
    # threshold parameter s (threshold_type='dimension' -> shape [latent_dim])
    s = THRESHOLD_INIT * jnp.ones((LATENT_DIM,), dtype=jnp.float32)
    return {"x": x, "v": v, "s": s}


def reference(x, v, s):
    # x = x + offsets (map per-field indices to global row ids)
    x = x + jnp.asarray(OFFSETS, dtype=x.dtype)[None, :]
    # soft threshold over the full table: sign(v) * relu(|v| - sigmoid(s) * gk)
    sparse_v = jnp.sign(v) * jax.nn.relu(jnp.abs(v) - jax.nn.sigmoid(s) * GK)
    # embedding lookup (gather)
    xv = jnp.take(sparse_v, x, axis=0)
    return xv

if __name__ == "__main__":
    import jax
    _d = setup_inputs()
    print(jax.jit(kernel)(*tuple(_d.values())))

</pallas_src>

<mosaic_0001>
#map = affine_map<(d0, d1) -> (0)>
#map1 = affine_map<(d0, d1) -> (0, 0)>
module attributes {stable_mosaic.version = 14 : i64} {
  func.func @_body(%arg0: i32, %arg1: i32, %arg2: memref<106496xi32, #tpu.memory_space<hbm>>, %arg3: memref<1000012x16xf32, #tpu.memory_space<hbm>>, %arg4: memref<16xf32, #tpu.memory_space<hbm>>, %arg5: memref<106496x16xf32, #tpu.memory_space<hbm>>, %arg6: memref<3328xi32, #tpu.memory_space<vmem>>, %arg7: memref<3328x16xf32, #tpu.memory_space<vmem>>, %arg8: memref<16xf32, #tpu.memory_space<vmem>>, %arg9: memref<!tpu.dma_semaphore, #tpu.memory_space<semaphore_mem>>) attributes {dimension_semantics = [#tpu.dimension_semantics<core_parallel>, #tpu.dimension_semantics<subcore_parallel>], iteration_bounds = array<i64: 2, 16>, scalar_prefetch = 0 : i64, scratch_operands = 4 : i64, tpu.core_type = #tpu.core_type<sc_vector_subcore>, window_params = [{transform_indices = #map}, {transform_indices = #map1}, {transform_indices = #map}, {transform_indices = #map1}]} {
    %mul3A = arith.constant 2 : i32
    %mul3A_0 = arith.muli %arg1, %mul3A : i32
    %add3A = arith.addi %mul3A_0, %arg0 : i32
    %mul3A_1 = arith.constant 3328 : i32
    %mul3A_2 = arith.muli %add3A, %mul3A_1 : i32
    "tpu.region"() ({
      %run_scoped3A = tpu.sem_alloc : memref<!tpu.dma_semaphore, #tpu.memory_space<semaphore_mem>>
      %dma_start3A = tpu.memref_slice %arg2[%mul3A_2] : memref<106496xi32, #tpu.memory_space<hbm>> -> memref<3328xi32, #tpu.memory_space<hbm>>
      %dma_start3A_38 = tpu.memref_slice %arg2[%mul3A_2] : memref<106496xi32, #tpu.memory_space<hbm>> -> memref<3328xi32, #tpu.memory_space<hbm>>
      tpu.enqueue_dma source(%dma_start3A_38 : memref<3328xi32, #tpu.memory_space<hbm>>) target(%arg6 : memref<3328xi32, #tpu.memory_space<vmem>>) target_semaphore(%run_scoped3A : memref<!tpu.dma_semaphore, #tpu.memory_space<semaphore_mem>>)
      %dma_wait3A = tpu.memref_slice %arg2[%mul3A_2] : memref<106496xi32, #tpu.memory_space<hbm>> -> memref<3328xi32, #tpu.memory_space<hbm>>
      %dma_wait3A_39 = tpu.memref_slice %arg2[%mul3A_2] : memref<106496xi32, #tpu.memory_space<hbm>> -> memref<3328xi32, #tpu.memory_space<hbm>>
      tpu.wait_dma2 semaphore(%run_scoped3A : memref<!tpu.dma_semaphore, #tpu.memory_space<semaphore_mem>>) src(%dma_wait3A_39 : memref<3328xi32, #tpu.memory_space<hbm>>) dst(%arg6 : memref<3328xi32, #tpu.memory_space<vmem>>)
      tpu.yield
    }) : () -> ()
    "tpu.region"() ({
      %run_scoped3A = tpu.sem_alloc : memref<!tpu.dma_semaphore, #tpu.memory_space<semaphore_mem>>
      tpu.enqueue_dma source(%arg4 : memref<16xf32, #tpu.memory_space<hbm>>) target(%arg8 : memref<16xf32, #tpu.memory_space<vmem>>) target_semaphore(%run_scoped3A : memref<!tpu.dma_semaphore, #tpu.memory_space<semaphore_mem>>)
      tpu.wait_dma2 semaphore(%run_scoped3A : memref<!tpu.dma_semaphore, #tpu.memory_space<semaphore_mem>>) src(%arg4 : memref<16xf32, #tpu.memory_space<hbm>>) dst(%arg8 : memref<16xf32, #tpu.memory_space<vmem>>)
      tpu.yield
    }) : () -> ()
    %scan3A = arith.constant 0 : i32
    %scan3A_3 = arith.constant 0 : i32
    %scan3A_4 = arith.constant 208 : i32
    %scan3A_5 = arith.addi %scan3A_3, %scan3A_4 : i32
    %scan3A_6 = arith.constant 1 : i32
    scf.for %scan3A_38 = %scan3A_3 to %scan3A_5 step %scan3A_6  : i32 {
      %mul3A_39 = arith.constant 16 : i32
      %mul3A_40 = arith.muli %scan3A_38, %mul3A_39 : i32
      %add3A_41 = arith.addi %mul3A_2, %mul3A_40 : i32
      %shift_right_logical3A = arith.constant 12 : i32
      %shift_right_logical3A_42 = arith.shrui %add3A_41, %shift_right_logical3A : i32
      %mul3A_43 = arith.constant 38462 : i32
      %mul3A_44 = arith.muli %shift_right_logical3A_42, %mul3A_43 : i32
      %mul3A_45 = arith.constant 16 : i32
      %mul3A_46 = arith.muli %scan3A_38, %mul3A_45 : i32
      %get3A_47 = arith.index_cast %mul3A_46 : i32 to index
      %get3A_48 = tpu.vector_load %arg6[%get3A_47] {strides = array<i32>} : memref<3328xi32, #tpu.memory_space<vmem>>, vector<16xi32>,
      %get3A_49 = vector.shape_cast %get3A_48 : vector<16xi32> to vector<16xi32>
      %broadcast_in_dim3A = vector.broadcast %mul3A_44 : i32 to vector<16xi32>
      %add3A_50 = arith.addi %get3A_49, %broadcast_in_dim3A : vector<16xi32>
      %swap3A = arith.index_cast %mul3A_46 : i32 to index
      %swap3A_51 = tpu.vector_load %arg6[%swap3A] {strides = array<i32>} : memref<3328xi32, #tpu.memory_space<vmem>>, vector<16xi32>,
      %swap3A_52 = vector.shape_cast %swap3A_51 : vector<16xi32> to vector<16xi32>
      %swap3A_53 = vector.shape_cast %add3A_50 : vector<16xi32> to vector<16xi32>
      tpu.vector_store %arg6[%swap3A], %swap3A_53 {strides = array<i32>} : memref<3328xi32, #tpu.memory_space<vmem>>, vector<16xi32>,
    }
    %scan3A_7 = arith.constant 208 : i32
    %scan3A_8 = arith.constant 0 : i32
    %scan3A_9 = arith.constant 0 : i32
    %scan3A_10 = arith.constant 26 : i32
    %scan3A_11 = arith.addi %scan3A_9, %scan3A_10 : i32
    %scan3A_12 = arith.constant 1 : i32
    scf.for %scan3A_38 = %scan3A_9 to %scan3A_11 step %scan3A_12  : i32 {
      %mul3A_39 = arith.constant 128 : i32
      %mul3A_40 = arith.muli %scan3A_38, %mul3A_39 : i32
      %mul3A_41 = arith.constant 128 : i32
      %mul3A_42 = arith.muli %scan3A_38, %mul3A_41 : i32
      %dma_start3A = arith.constant 0 : i32
      %dma_start3A_43 = tpu.memref_slice %arg7[%mul3A_42, %dma_start3A] : memref<3328x16xf32, #tpu.memory_space<vmem>> -> memref<128x16xf32, #tpu.memory_space<vmem>>
      %dma_start3A_44 = tpu.memref_slice %arg6[%mul3A_40] : memref<3328xi32, #tpu.memory_space<vmem>> -> memref<128xi32, #tpu.memory_space<vmem>>
      %dma_start3A_45 = arith.constant 0 : i32
      %dma_start3A_46 = arith.constant 0 : i32
      %dma_start3A_47 = tpu.memref_slice %arg3[%dma_start3A_45, %dma_start3A_46] : memref<1000012x16xf32, #tpu.memory_space<hbm>> -> memref<1000012x16xf32, #tpu.memory_space<hbm>>
      tpu.enqueue_indirect_dma source(%dma_start3A_47 : memref<1000012x16xf32, #tpu.memory_space<hbm>>) target(%dma_start3A_43 : memref<128x16xf32, #tpu.memory_space<vmem>>) offsets(%dma_start3A_44 : memref<128xi32, #tpu.memory_space<vmem>>) semaphore(%arg9 : memref<!tpu.dma_semaphore, #tpu.memory_space<semaphore_mem>>)
    }
    %scan3A_13 = arith.constant 26 : i32
    %get3A = arith.constant 0 : index
    %get3A_14 = tpu.vector_load %arg8[%get3A] {strides = array<i32>} : memref<16xf32, #tpu.memory_space<vmem>>, vector<16xf32>,
    %get3A_15 = vector.shape_cast %get3A_14 : vector<16xf32> to vector<16xf32>
    %neg3A = arith.constant 0.000000e+00 : f32
    %neg3A_16 = vector.broadcast %neg3A : f32 to vector<16xf32>
    %neg3A_17 = arith.subf %neg3A_16, %get3A_15 : vector<16xf32>
    %exp3A = math.exp %neg3A_17 : vector<16xf32>
    %add3A_18 = arith.constant 1.000000e+00 : f32
    %add3A_19 = vector.broadcast %add3A_18 : f32 to vector<16xf32>
    %add3A_20 = arith.addf %add3A_19, %exp3A : vector<16xf32>
    %div3A = arith.constant 1.000000e+00 : f32
    %div3A_21 = vector.broadcast %div3A : f32 to vector<16xf32>
    %div3A_22 = arith.divf %div3A_21, %add3A_20 : vector<16xf32>
    %neg3A_23 = arith.constant 0.000000e+00 : f32
    %neg3A_24 = vector.broadcast %neg3A_23 : f32 to vector<16xf32>
    %neg3A_25 = arith.subf %neg3A_24, %div3A_22 : vector<16xf32>
    %scan3A_26 = arith.constant 0 : i32
    %scan3A_27 = arith.constant 0 : i32
    %scan3A_28 = arith.constant 26 : i32
    %scan3A_29 = arith.addi %scan3A_27, %scan3A_28 : i32
    %scan3A_30 = arith.constant 1 : i32
    scf.for %scan3A_38 = %scan3A_27 to %scan3A_29 step %scan3A_30  : i32 {
      %mul3A_39 = arith.constant 128 : i32
      %mul3A_40 = arith.muli %scan3A_38, %mul3A_39 : i32
      %mul3A_41 = arith.constant 128 : i32
      %mul3A_42 = arith.muli %scan3A_38, %mul3A_41 : i32
      %dma_wait3A = arith.constant 0 : i32
      %dma_wait3A_43 = tpu.memref_slice %arg7[%mul3A_42, %dma_wait3A] : memref<3328x16xf32, #tpu.memory_space<vmem>> -> memref<128x16xf32, #tpu.memory_space<vmem>>
      %dma_wait3A_44 = tpu.memref_slice %arg6[%mul3A_40] : memref<3328xi32, #tpu.memory_space<vmem>> -> memref<128xi32, #tpu.memory_space<vmem>>
      %dma_wait3A_45 = arith.constant 0 : i32
      %dma_wait3A_46 = arith.constant 0 : i32
      %dma_wait3A_47 = tpu.memref_slice %arg3[%dma_wait3A_45, %dma_wait3A_46] : memref<1000012x16xf32, #tpu.memory_space<hbm>> -> memref<1000012x16xf32, #tpu.memory_space<hbm>>
      tpu.wait_indirect_dma semaphore(%arg9 : memref<!tpu.dma_semaphore, #tpu.memory_space<semaphore_mem>>) src(%dma_wait3A_47 : memref<1000012x16xf32, #tpu.memory_space<hbm>>) dst(%dma_wait3A_43 : memref<128x16xf32, #tpu.memory_space<vmem>>)
    }
    %scan3A_31 = arith.constant 26 : i32
    %scan3A_32 = arith.constant 0 : i32
    %scan3A_33 = arith.constant 0 : i32
    %scan3A_34 = arith.constant 3328 : i32
    %scan3A_35 = arith.addi %scan3A_33, %scan3A_34 : i32
    %scan3A_36 = arith.constant 1 : i32
    scf.for %scan3A_38 = %scan3A_33 to %scan3A_35 step %scan3A_36  : i32 {
      %get3A_39 = arith.index_cast %scan3A_38 : i32 to index
      %get3A_40 = arith.constant 0 : index
      %get3A_41 = tpu.vector_load %arg7[%get3A_39, %get3A_40] {strides = array<i32>} : memref<3328x16xf32, #tpu.memory_space<vmem>>, vector<1x16xf32>,
      %get3A_42 = vector.shape_cast %get3A_41 : vector<1x16xf32> to vector<16xf32>
      %max3A = arith.maximumf %get3A_42, %neg3A_25 : vector<16xf32>
      %min3A = arith.minimumf %max3A, %div3A_22 : vector<16xf32>
      %sub3A = arith.subf %get3A_42, %min3A : vector<16xf32>
      %swap3A = arith.index_cast %scan3A_38 : i32 to index
      %swap3A_43 = arith.constant 0 : index
      %swap3A_44 = tpu.vector_load %arg7[%swap3A, %swap3A_43] {strides = array<i32>} : memref<3328x16xf32, #tpu.memory_space<vmem>>, vector<1x16xf32>,
      %swap3A_45 = vector.shape_cast %swap3A_44 : vector<1x16xf32> to vector<16xf32>
      %swap3A_46 = vector.shape_cast %sub3A : vector<16xf32> to vector<1x16xf32>
      tpu.vector_store %arg7[%swap3A, %swap3A_43], %swap3A_46 {strides = array<i32>} : memref<3328x16xf32, #tpu.memory_space<vmem>>, vector<1x16xf32>,
    }
    %scan3A_37 = arith.constant 3328 : i32
    "tpu.region"() ({
      %run_scoped3A = tpu.sem_alloc : memref<!tpu.dma_semaphore, #tpu.memory_space<semaphore_mem>>
      %dma_start3A = arith.constant 0 : i32
      %dma_start3A_38 = tpu.memref_slice %arg5[%mul3A_2, %dma_start3A] : memref<106496x16xf32, #tpu.memory_space<hbm>> -> memref<3328x16xf32, #tpu.memory_space<hbm>>
      %dma_start3A_39 = arith.constant 0 : i32
      %dma_start3A_40 = tpu.memref_slice %arg5[%mul3A_2, %dma_start3A_39] : memref<106496x16xf32, #tpu.memory_space<hbm>> -> memref<3328x16xf32, #tpu.memory_space<hbm>>
      tpu.enqueue_dma source(%arg7 : memref<3328x16xf32, #tpu.memory_space<vmem>>) target(%dma_start3A_40 : memref<3328x16xf32, #tpu.memory_space<hbm>>) target_semaphore(%run_scoped3A : memref<!tpu.dma_semaphore, #tpu.memory_space<semaphore_mem>>)
      %dma_wait3A = arith.constant 0 : i32
      %dma_wait3A_41 = tpu.memref_slice %arg5[%mul3A_2, %dma_wait3A] : memref<106496x16xf32, #tpu.memory_space<hbm>> -> memref<3328x16xf32, #tpu.memory_space<hbm>>
      %dma_wait3A_42 = arith.constant 0 : i32
      %dma_wait3A_43 = tpu.memref_slice %arg5[%mul3A_2, %dma_wait3A_42] : memref<106496x16xf32, #tpu.memory_space<hbm>> -> memref<3328x16xf32, #tpu.memory_space<hbm>>
      tpu.wait_dma2 semaphore(%run_scoped3A : memref<!tpu.dma_semaphore, #tpu.memory_space<semaphore_mem>>) src(%arg7 : memref<3328x16xf32, #tpu.memory_space<vmem>>) dst(%dma_wait3A_43 : memref<3328x16xf32, #tpu.memory_space<hbm>>)
      tpu.yield
    }) : () -> ()
    return
  }
}

</mosaic_0001>

<sc_bundles>
// kernel: kernel.3.cloned.1.call-start
scs
__scs_entry_jumppad:
0x0: {  	(pc) =	sbr.rel $0x88, $3  }
0x1: {  	(tag) =	ssettag $0x0;
	lr =	simm.s32 $0x1  }
0x2: {  	[smem:$0x3F9E] =	sst lr;
	_ =	strace $0xD0000000  }
0x3: {  	_ = 	snop  }
0x4: {  	_ = 	snop  }
0x5: {  	_ = 	snop  }
0x6: {  	_ = 	snop  }
0x7: {  	_ = 	snop  }
__scs_overlays_trampoline_lowered:
0x8: {  	[smem:$0x3FAD] =	sst s0  }
0x9: {  	[smem:$0x3FAE] =	sst s1  }
0xa: {  	[smem:$0x3FAF] =	sst s2  }
0xb: {  	[smem:$0x3FB0] =	sst s3  }
0xc: {  	[smem:$0x3FB1] =	sst s4  }
0xd: {  	[smem:$0x3FB2] =	sst s5  }
0xe: {  	[smem:$0x3FB3] =	sst s6  }
0xf: {  	[smem:$0x3FB4] =	sst s7  }
0x10: {  	[smem:$0x3FB5] =	sst s8  }
0x11: {  	[smem:$0x3FB6] =	sst s9;
	s0 =	simm.s32 @!p0 $0x0  }
0x12: {  	s1 =	sld [smem:$0x3F9C];
	s0 =	simm.s32 @p0 $0x1  }
0x13: {  	[smem:$0x3FB7] =	sst s0;
	s0 =	simm.s32 @!p1 $0x0  }
0x14: {  	s2 =	sld [smem:$0x3F9B];
	s0 =	simm.s32 @p1 $0x1  }
0x15: {  	[smem:$0x3FB8] =	sst s0;
	s0 =	simm.s32 @!p2 $0x0  }
0x16: {  	s3 =	sld [smem:$0x3FDB];
	s0 =	simm.s32 @p2 $0x1  }
0x17: {  	s4 =	simm.s32 $0x1BF5;
	[smem:$0x3FBA] =	sst s0  }
0x18: {  	s0 =	sld [smem:$0x3F9D];
	_ =	swait.ge [sflag:s4], $0x0  }
0x19: {  	s7 =	sld [smem:$0x3F9E]  }
0x1a: {  	s8 =	sadd.s32 $0xFFFFE003, lr  }
0x1b: {  	s9 =	sadd.s32 $0xFFFFFEF7, lr;
	s5 =	simm.s32 $0xFFFFFFFF;
	p2 =	slt.u32 s8, $0xFFFFF086  }
0x1c: {  	p1 =	slt.u32 s9, $0xF7A;
	s5 =	simm.s32 @!p2 $0x0  }
0x1d: {  	s5 =	simm.s32 @p1 $0x1;
	p0 =	seq.s32 s7, s2  }
0x1e: {  	s7 =	smul.u32 @!p0 $0xF7A, s2;
	p2 =	seq.s32 @!p0 s5, $0x0  }
0x1f: {  	s9 =	smul.u32 $0xF7A, s1;
	s8 =	simm.s32 @!p0 $0x1BF5;
	p2 =	por !p2, p0  }
0x20: {  	[sflag:s8] =	ssyncset.s32 @!p0 $0xFFFFF086;
	s6 =	sadd.s32 @!p0 s3, s7;
	s7 =	simm.s32 @!p0 $0x108  }
0x21: {  	s3 =	sadd.s32 s3, s9;
	s6 =	sadd.s32 @!p0 $0x88, s6;
	s7 =	simm.s32 @p2 $0x1082  }
0x22: {  	[simem:s7], [sflag:s8] =	dma.local @!p0 [hbm:s6], $0xF7A  }
0x23: {  	s9 =	sor.u32 $0xD0000000, s2;
	s6 =	simm.s32 $0x108;
	_ =	swait.ge @!p0 [sflag:s8], $0x0  }
0x24: {  	s3 =	sadd.s32 $0x88, s3;
	s6 =	simm.s32 @!p1 $0x1082;
	[sflag:s4] =	ssyncset.s32 $0xFFFFF086  }
0x25: {  	[simem:s6], [sflag:s4] =	dma.local [hbm:s3], $0xF7A  }
0x26: {  	[smem:$0x3F9E] =	sst s1;
	(tag) =	ssettag s2;
	_ =	strace s9  }
0x27: {  	s1 =	sld [smem:$0x3FAE]  }
0x28: {  	s2 =	sld [smem:$0x3FAF]  }
0x29: {  	s4 =	sld [smem:$0x3FB1]  }
0x2a: {  	p0 =	seq.s32 s5, $0x0;
	s5 =	sld [smem:$0x3FB2]  }
0x2b: {  	s6 =	sld [smem:$0x3FB3]  }
0x2c: {  	s7 =	sld [smem:$0x3FB4]  }
0x2d: {  	s3 =	simm.s32 $0x108;
	s8 =	sld [smem:$0x3FB5]  }
0x2e: {  	s3 =	simm.s32 @!p0 $0x1082;
	s9 =	sld [smem:$0x3FB6]  }
0x2f: {  	lr =	sadd.s32 s0, s3;
	s0 =	sld [smem:$0x3FAD]  }
0x30: {  	s3 =	sld [smem:$0x3FB0]  }
0x31: {  	[smem:$0x3FB9] =	sst s10  }
0x32: {  	s10 =	sld [smem:$0x3FB7];
	_ =	sdelay $0x3  }
0x33: {  	p0 =	seq.s32 s10, $0x1;
	s10 =	sld [smem:$0x3FB9];
	_ =	sdelay $0x3  }
0x34: {  	[smem:$0x3FB9] =	sst s10  }
0x35: {  	s10 =	sld [smem:$0x3FB8];
	_ =	sdelay $0x3  }
0x36: {  	p1 =	seq.s32 s10, $0x1;
	s10 =	sld [smem:$0x3FB9];
	_ =	sdelay $0x3  }
0x37: {  	[smem:$0x3FB9] =	sst s10  }
0x38: {  	s10 =	sld [smem:$0x3FBA]  }
0x39: {  	_ = 	snop;
	(pc) =	sbr.ind lr, $3  }
0x3a: {  	_ = 	snop  }
0x3b: {  	_ = 	snop  }
0x3c: {  	p2 =	seq.s32 s10, $0x1;
	s10 =	sld [smem:$0x3FB9]  }
0x3d: {  	_ =	shalt  }
0x3e: {  	_ =	shalt  }
0x3f: {  	_ =	shalt  }
0x40: {  	_ =	shalt  }
0x41: {  	_ =	shalt  }
0x42: {  	_ =	shalt  }
0x43: {  	_ =	shalt  }
0x44: {  	_ =	shalt  }
0x45: {  	_ =	shalt  }
0x46: {  	_ =	shalt  }
0x47: {  	_ =	shalt  }
0x48: {  	_ =	shalt  }
0x49: {  	_ =	shalt  }
0x4a: {  	_ =	shalt  }
0x4b: {  	_ =	shalt  }
0x4c: {  	_ =	shalt  }
0x4d: {  	_ =	shalt  }
0x4e: {  	_ =	shalt  }
0x4f: {  	_ =	shalt  }
0x50: {  	_ =	shalt  }
0x51: {  	_ =	shalt  }
0x52: {  	_ =	shalt  }
0x53: {  	_ =	shalt  }
0x54: {  	_ =	shalt  }
0x55: {  	_ =	shalt  }
0x56: {  	_ =	shalt  }
0x57: {  	_ =	shalt  }
0x58: {  	_ =	shalt  }
0x59: {  	_ =	shalt  }
0x5a: {  	_ =	shalt  }
0x5b: {  	_ =	shalt  }
0x5c: {  	_ =	shalt  }
0x5d: {  	_ =	shalt  }
0x5e: {  	_ =	shalt  }
0x5f: {  	_ =	shalt  }
0x60: {  	_ =	shalt  }
0x61: {  	_ =	shalt  }
0x62: {  	_ =	shalt  }
0x63: {  	_ =	shalt  }
0x64: {  	_ =	shalt  }
0x65: {  	_ =	shalt  }
0x66: {  	_ =	shalt  }
0x67: {  	_ =	shalt  }
0x68: {  	_ =	shalt  }
0x69: {  	_ =	shalt  }
0x6a: {  	_ =	shalt  }
0x6b: {  	_ =	shalt  }
0x6c: {  	_ =	shalt  }
0x6d: {  	_ =	shalt  }
0x6e: {  	_ =	shalt  }
0x6f: {  	_ =	shalt  }
0x70: {  	_ =	shalt  }
0x71: {  	_ =	shalt  }
0x72: {  	_ =	shalt  }
0x73: {  	_ =	shalt  }
0x74: {  	_ =	shalt  }
0x75: {  	_ =	shalt  }
0x76: {  	_ =	shalt  }
0x77: {  	_ =	shalt  }
0x78: {  	_ =	shalt  }
0x79: {  	_ =	shalt  }
0x7a: {  	_ =	shalt  }
0x7b: {  	_ =	shalt  }
0x7c: {  	_ =	shalt  }
0x7d: {  	_ =	shalt  }
0x7e: {  	_ =	shalt  }
0x7f: {  	_ =	shalt  }
0x80: {  	_ =	shalt  }
0x81: {  	_ =	shalt  }
0x82: {  	_ =	shalt  }
0x83: {  	_ =	shalt  }
0x84: {  	_ =	shalt  }
0x85: {  	_ =	shalt  }
0x86: {  	_ =	shalt  }
0x87: {  	_ =	shalt  }
.Lfunc_end0:
.L_simem_size_0:
called_computation_lowered:
.L_overlay_start_0:
0x88: {  	s2 =	sld [smem:$0x3FD9]  }
0x89: {  	s3 =	sld [smem:$0x3FFE];
	_ =	sdelay $0x1  }
0x8a: {  	s1 =	srdreg.scid  }
0x8b: {  	s0 =	sand.u32 $0x1, s1  }
0x8c: {  	s17 =	sshll.u32 s0, $0xA;
	s2 =	sadd.s32 s3, s2  }
0x8d: {  	s2 =	sadd.s32 s2, s17  }
0x8e: {  	[smem:$0x3FC5] =	sst s2  }
0x8f: {  	_ = 	snop  }
0x90: {  	s2 =	sld [smem:$0x3FC7]  }
0x91: {  	s18 =	sld [smem:$0x3FD0];
	(tm) =	ssettm $0x1  }
0x92: {  	s4 =	sld [smem:$0x3FFB];
	_ =	sdelay $0x3  }
0x93: {  	_ =	strace s4  }
0x94: {  	s4 =	sld [smem:$0x3FFC];
	_ =	sdelay $0x3  }
0x95: {  	_ =	strace s4  }
0x96: {  	s4 =	sld [smem:$0x3FFD];
	_ =	sdelay $0x3  }
0x97: {  	_ =	strace s4  }
0x98: {  	_ =	strace $0x8FFFFFFF  }
0x99: {  	s19 =	sld [smem:$0x3FDB];
	_ =	sdelay $0x1  }
0x9a: {  	s5 =	simm.s32 $_scs_section_size  }
0x9b: {  	s6 =	simm.s32 $_size__tile_overlayer_lowered;
	s7 =	simm.s32 $_tile_overlayer_lowered  }
0x9c: {  	s22 =	simm.s32 $0x1BFF;
	s21 =	sshll.u32 s7, $0x1;
	s4 =	sadd.s32 s5, s19  }
0x9d: {  	s8 =	simm.s32 $0x0;
	s20 =	sshll.u32 s6, $0x1;
	s6 =	sadd.s32 s21, s4  }
0x9e: {  	[timem:s8], [sflag:s22] =	dma.local [hbm:s6], s20  }
0x9f: {  	_ =	swait.ge [sflag:s22], s20  }
0xa0: {  	s5 =	ssub.s32 $0x0, s20;
	[sflag:s22] =	ssyncset.done $0x0  }
0xa1: {  	[sflag:s22] =	ssyncadd.s32 s5;
	_ =	sdelay $0x1  }
0xa2: {  	s23 =	simm.s32 $0x1B8B  }
0xa3: {  	_ =	swait.ge [sflag:s23], $0x1  }
0xa4: {  	[sflag:s23] =	ssyncset.done $0x0  }
0xa5: {  	s25 =	simm.s32 $0x1B8E;
	s24 =	sld [smem:$0x3FFE];
	[sflag:s23] =	ssyncadd.s32 $0xFFFFFFFF  }
0xa6: {  	s26 =	simm.s32 $execute0_lowered;
	[smem:$0x3FD2] =	sst s25  }
0xa7: {  	s6 =	sshll.u32 s26, $0x1;
	_ =	strace $0x80000046;
	[dreg:$0x1] =	wrdreg $0xFFFFFFFF  }
0xa8: {  	s28 =	simm.s32 $_size_execute0_lowered;
	s4 =	sadd.s32 s4, s6;
	[dreg:$0x0] =	wrdreg $0x0  }
0xa9: {  	s6 =	sshll.u32 s28, $0x1;
	[dreg:$0x2] =	wrdreg s4  }
0xaa: {  	[dreg:$0x3] =	wrdreg s6  }
0xab: {  	[dreg:$0x4] =	wrdreg $0xC0  }
0xac: {  	_ =	task [dreg:s8], $0x5FFFF  }
0xad: {  	[dreg:$0x1] =	wrdreg $0xFFFFFFFF  }
0xae: {  	[dreg:$0x0] =	wrdreg $0x60  }
0xaf: {  	[dreg:$0x2] =	wrdreg s24  }
0xb0: {  	[dreg:$0x3] =	wrdreg s2  }
0xb1: {  	[dreg:$0x4] =	wrdreg s18  }
0xb2: {  	[dreg:$0x5] =	wrdreg $0x9  }
0xb3: {  	_ =	task.clear_ibuf [dreg:s8], $0x6FFFF;
	_ =	strace $0x90000046  }
0xb4: {  	s29 =	simm.s32 $0x9;
	_ =	strace $0x80000048  }
0xb5: {  	_ =	swait.ge [sflag:s29], $0x1  }
0xb6: {  	[sflag:s29] =	ssyncadd.s32 $0xFFFFFFFF  }
0xb7: {  	_ =	strace $0x90000048  }
0xb8: {  	_ =	sfence  }
0xb9: {  	s30 =	sld [smem:$0x0];
	_ =	sdelay $0x2  }
0xba: {  	s31 =	sshll.u32 s1, $0xD;
	s1 =	sshrl.u32 s1, $0x2  }
0xbb: {  	s3 =	sand.u32 $0x4000, s31;
	s1 =	sadd.s32 s1, s30  }
0xbc: {  	s0 =	sor.u32 s3, s0;
	s1 =	sshll.u32 s1, $0x11  }
0xbd: {  	s0 =	sor.u32 s1, s0  }
0xbe: {  	s0 =	sadd.s32 $0x8F2B, s0  }
0xbf: {  	[sflag:s0] =	ssyncadd.remote.s32 $0x1  }
0xc0: {  	_ =	sfence.sel $0xFFFF  }
0xc1: {  	[dreg:$0x0] =	wrdreg $0xFFFFFFFF;
	(pc) =	sbr.abs _section_cstart, $3  }
0xc2: {  	[dreg:$0x1] =	wrdreg $0xFFFFFFFF  }
0xc3: {  	_ =	task.clear_ibuf [dreg:s8], $0x2FFFF;
	_ =	strace $0x9FFFFFFF  }
0xc4: {  	(tm) =	ssettm $0x7FFFFFFF  }
0xc5: {  	_ =	shalt  }
tec
execute0_lowered:
.L_overlay_start_1:
0x0: {  	(tag) =	ssettag $0x1  }
0x1: {  	s0 =	rddreg [dreg:$0x0]  }
0x2: {  	s1 =	srdreg.scid;
	s8 =	stileid.u32  }
0x3: {  	s6 =	rddreg [dreg:$0x2];
	s3 =	simm.s32 $0x0;
	s9 =	simm.s32 $0x2  }
0x4: {  	s11 =	simm.s32 $0x80;
	s12 =	simm.s32 $0xD00;
	s24 =	simm.s32 $0x900  }
0x5: {  	s25 =	simm.s32 $0x9D00;
	s28 =	simm.s32 $0xA500;
	s29 =	simm.s32 $0xA00  }
0x6: {  	s30 =	simm.s32 $0xAD00;
	s31 =	simm.s32 $0xA80;
	s10 =	simm.s32 $0xB80  }
0x7: {  	s13 =	simm.s32 $0xC500;
	s14 =	simm.s32 $0xC00;
	s15 =	simm.s32 $0xCD00  }
0x8: {  	s16 =	simm.s32 $0xC80;
	s17 =	simm.s32 $0xD500;
	s18 =	simm.s32 $0x1  }
0x9: {  	s1 =	sand.u32 $0x1, s1;
	s2 =	sshll.u32 s8, $0x1;
	s8 =	smul.u32 $0x1A00, s8  }
0xa: {  	s2 =	sor.u32 s1, s2;
	s7 =	ssub.s32 $0x2, s1;
	s1 =	smul.u32 $0xD00, s1  }
0xb: {  	s19 =	simm.s32 $0x0;
	[smem:$0x7FF] =	sst s3;
	s4 =	smul.u32 $0xD00, s2  }
0xc: {  	_ =	strace $0x80000047;
	s2 =	smul.u32 $0x1A00, s2;
	s26 =	sshrl.u32 s7, $0x1  }
0xd: {  	s21 =	sadd.s32 s1, s8;
	s1 =	simm.s32 $0xB500;
	s4 =	sshrl.u32 s4, $0x3  }
0xe: {  	s6 =	sadd.s32 s6, s2;
	s2 =	simm.s32 $0xBD00;
	s5 =	sadd.s32 s4, s0  }
0xf: {  	s4 =	sadd.s32 $0xF42C00, s0;
	s0 =	ssub.s32 s7, s26;
	s26 =	simm.s32 $0x980  }
0x10: {  	s5 =	sadd.s32 $0x600, s5;
	s7 =	smax.u32 s0, $0x1;
	s0 =	simm.s32 $0xB00  }
.LBB2_1:
0x11: {  	[tilespmem:s3], [sflag:$0x2] =	stream.linear.gather [hbm4b:s5+s3], $0xD00, $0x38;
	[tilespmem:$0xDD10] =	vst v63  }
0x12: {  	_ =	swait.ge [sflag:s9], $0xD00  }
0x13: {  	[sflag:s9] =	ssyncset.done $0x0  }
0x14: {  	[sflag:s9] =	ssyncadd.s32 $0xFFFFF300  }
0x15: {  	s20 =	simm.s32 $0xDD00;
	s8 =	rddreg [dreg:$0x1]  }
0x16: {  	[tilespmem:s20], [sflag:$0x2] =	stream.linear.gather [hbm4b:s8+s3], $0x10, $0x38;
	[tilespmem:$0xDD10] =	vst v63  }
0x17: {  	_ =	swait.ge [sflag:s9], $0x10  }
0x18: {  	[sflag:s9] =	ssyncset.done $0x0  }
0x19: {  	s8 =	simm.s32 $0x0;
	[sflag:s9] =	ssyncadd.s32 $0xFFFFFFF0  }
0x1a: {  	v0 =	vld [tilespmem:s8+$0x0];
	_ =	sdelay $0x1  }
0x1b: {  	s23 =	sshrl.u32 s21, $0xC  }
0x1c: {  	s20 =	smul.u32 $0x963E, s23;
	_ =	sdelay $0x1  }
0x1d: {  	v0 =	vadd.s32 s20, v0  }
0x1e: {  	s22 =	simm.s32 $0x80;
	s20 =	simm.s32 $0x10;
	[tilespmem:s8+$0x0] =	vst v0;
	s8 =	smov.u32 s21  }
.LBB2_2:
0x1f: {  	p0 =	sne.s32 s22, $0x33C0;
	v0 =	vld [tilespmem:s20+$0x0]  }
0x20: {  	s8 =	sadd.s32 $0x10, s8  }
.Ltmp0:
0x21: {  	s23 =	sshrl.u32 s8, $0xC;
	(pc) =	sbr.rel @p0 .LBB2_2-.Ltmp0, $3  }
0x22: {  	s23 =	smul.u32 $0x963E, s23;
	_ =	sdelay $0x1  }
0x23: {  	v0 =	vadd.s32 s23, v0  }
0x24: {  	[tilespmem:s20+$0x0] =	vst v0;
	s20 =	sshra.s32 s22, $0x2;
	s22 =	sadd.s32 $0x40, s22  }
0x25: {  	v0 =	vld [tilespmem:s20+$0x0]  }
0x26: {  	s8 =	sadd.s32 $0x10, s8  }
0x27: {  	s8 =	sshrl.u32 s8, $0xC  }
0x28: {  	s8 =	smul.u32 $0x963E, s8;
	_ =	sdelay $0x1  }
0x29: {  	v0 =	vadd.s32 s8, v0  }
0x2a: {  	s23 =	simm.s32 $0x0;
	[tilespmem:s20+$0x0] =	vst v0  }
0x2b: {  	[tilespmem:s12], [sflag:$0x1] =	stream.indirect.gather [hbm4b:s4+s11], $0x10, s23, s11, $0xb8;
	[tilespmem:$0xDD10] =	vst v63  }
0x2c: {  	s20 =	simm.s32 $0x1500  }
0x2d: {  	[tilespmem:s20], [sflag:$0x1] =	stream.indirect.gather [hbm4b:s4+s11], $0x10, s11, s11, $0xb8;
	[tilespmem:$0xDD10] =	vst v63  }
0x2e: {  	s22 =	simm.s32 $0x100;
	s23 =	simm.s32 $0x1D00  }
0x2f: {  	[tilespmem:s23], [sflag:$0x1] =	stream.indirect.gather [hbm4b:s4+s11], $0x10, s22, s11, $0xb8;
	[tilespmem:$0xDD10] =	vst v63  }
0x30: {  	s22 =	simm.s32 $0x180;
	s23 =	simm.s32 $0x2500  }
0x31: {  	[tilespmem:s23], [sflag:$0x1] =	stream.indirect.gather [hbm4b:s4+s11], $0x10, s22, s11, $0xb8;
	[tilespmem:$0xDD10] =	vst v63  }
0x32: {  	s22 =	simm.s32 $0x200;
	s23 =	simm.s32 $0x2D00  }
0x33: {  	[tilespmem:s23], [sflag:$0x1] =	stream.indirect.gather [hbm4b:s4+s11], $0x10, s22, s11, $0xb8;
	[tilespmem:$0xDD10] =	vst v63  }
0x34: {  	s22 =	simm.s32 $0x280;
	s23 =	simm.s32 $0x3500  }
0x35: {  	[tilespmem:s23], [sflag:$0x1] =	stream.indirect.gather [hbm4b:s4+s11], $0x10, s22, s11, $0xb8;
	[tilespmem:$0xDD10] =	vst v63  }
0x36: {  	s22 =	simm.s32 $0x300;
	s23 =	simm.s32 $0x3D00  }
0x37: {  	[tilespmem:s23], [sflag:$0x1] =	stream.indirect.gather [hbm4b:s4+s11], $0x10, s22, s11, $0xb8;
	[tilespmem:$0xDD10] =	vst v63  }
0x38: {  	s22 =	simm.s32 $0x380;
	s23 =	simm.s32 $0x4500  }
0x39: {  	[tilespmem:s23], [sflag:$0x1] =	stream.indirect.gather [hbm4b:s4+s11], $0x10, s22, s11, $0xb8;
	[tilespmem:$0xDD10] =	vst v63  }
0x3a: {  	s22 =	simm.s32 $0x400;
	s23 =	simm.s32 $0x4D00  }
0x3b: {  	[tilespmem:s23], [sflag:$0x1] =	stream.indirect.gather [hbm4b:s4+s11], $0x10, s22, s11, $0xb8;
	[tilespmem:$0xDD10] =	vst v63  }
0x3c: {  	s22 =	simm.s32 $0x480;
	s23 =	simm.s32 $0x5500  }
0x3d: {  	[tilespmem:s23], [sflag:$0x1] =	stream.indirect.gather [hbm4b:s4+s11], $0x10, s22, s11, $0xb8;
	[tilespmem:$0xDD10] =	vst v63  }
0x3e: {  	s22 =	simm.s32 $0x500;
	s23 =	simm.s32 $0x5D00  }
0x3f: {  	[tilespmem:s23], [sflag:$0x1] =	stream.indirect.gather [hbm4b:s4+s11], $0x10, s22, s11, $0xb8;
	[tilespmem:$0xDD10] =	vst v63  }
0x40: {  	s22 =	simm.s32 $0x580;
	s23 =	simm.s32 $0x6500  }
0x41: {  	[tilespmem:s23], [sflag:$0x1] =	stream.indirect.gather [hbm4b:s4+s11], $0x10, s22, s11, $0xb8;
	[tilespmem:$0xDD10] =	vst v63  }
0x42: {  	s22 =	simm.s32 $0x600;
	s23 =	simm.s32 $0x6D00  }
0x43: {  	[tilespmem:s23], [sflag:$0x1] =	stream.indirect.gather [hbm4b:s4+s11], $0x10, s22, s11, $0xb8;
	[tilespmem:$0xDD10] =	vst v63  }
0x44: {  	s22 =	simm.s32 $0x680;
	s23 =	simm.s32 $0x7500  }
0x45: {  	[tilespmem:s23], [sflag:$0x1] =	stream.indirect.gather [hbm4b:s4+s11], $0x10, s22, s11, $0xb8;
	[tilespmem:$0xDD10] =	vst v63  }
0x46: {  	s22 =	simm.s32 $0x700;
	s23 =	simm.s32 $0x7D00  }
0x47: {  	[tilespmem:s23], [sflag:$0x1] =	stream.indirect.gather [hbm4b:s4+s11], $0x10, s22, s11, $0xb8;
	[tilespmem:$0xDD10] =	vst v63  }
0x48: {  	s22 =	simm.s32 $0x780;
	s23 =	simm.s32 $0x8500  }
0x49: {  	[tilespmem:s23], [sflag:$0x1] =	stream.indirect.gather [hbm4b:s4+s11], $0x10, s22, s11, $0xb8;
	[tilespmem:$0xDD10] =	vst v63  }
0x4a: {  	s22 =	simm.s32 $0x800;
	s23 =	simm.s32 $0x8D00  }
0x4b: {  	[tilespmem:s23], [sflag:$0x1] =	stream.indirect.gather [hbm4b:s4+s11], $0x10, s22, s11, $0xb8;
	[tilespmem:$0xDD10] =	vst v63  }
0x4c: {  	s22 =	simm.s32 $0x880;
	s23 =	simm.s32 $0x9500  }
0x4d: {  	[tilespmem:s23], [sflag:$0x1] =	stream.indirect.gather [hbm4b:s4+s11], $0x10, s22, s11, $0xb8;
	[tilespmem:$0xDD10] =	vst v63  }
0x4e: {  	_ = 	snop  }
0x4f: {  	[tilespmem:s25], [sflag:$0x1] =	stream.indirect.gather [hbm4b:s4+s11], $0x10, s24, s11, $0xb8;
	[tilespmem:$0xDD10] =	vst v63  }
0x50: {  	_ = 	snop  }
0x51: {  	[tilespmem:s28], [sflag:$0x1] =	stream.indirect.gather [hbm4b:s4+s11], $0x10, s26, s11, $0xb8;
	[tilespmem:$0xDD10] =	vst v63  }
0x52: {  	_ = 	snop  }
0x53: {  	[tilespmem:s30], [sflag:$0x1] =	stream.indirect.gather [hbm4b:s4+s11], $0x10, s29, s11, $0xb8;
	[tilespmem:$0xDD10] =	vst v63  }
0x54: {  	_ = 	snop  }
0x55: {  	[tilespmem:s1], [sflag:$0x1] =	stream.indirect.gather [hbm4b:s4+s11], $0x10, s31, s11, $0xb8;
	[tilespmem:$0xDD10] =	vst v63  }
0x56: {  	_ = 	snop  }
0x57: {  	[tilespmem:s2], [sflag:$0x1] =	stream.indirect.gather [hbm4b:s4+s11], $0x10, s0, s11, $0xb8;
	[tilespmem:$0xDD10] =	vst v63  }
0x58: {  	_ = 	snop  }
0x59: {  	[tilespmem:s13], [sflag:$0x1] =	stream.indirect.gather [hbm4b:s4+s11], $0x10, s10, s11, $0xb8;
	[tilespmem:$0xDD10] =	vst v63  }
0x5a: {  	_ = 	snop  }
0x5b: {  	[tilespmem:s15], [sflag:$0x1] =	stream.indirect.gather [hbm4b:s4+s11], $0x10, s14, s11, $0xb8;
	[tilespmem:$0xDD10] =	vst v63  }
0x5c: {  	_ = 	snop  }
0x5d: {  	[tilespmem:s17], [sflag:$0x1] =	stream.indirect.gather [hbm4b:s4+s11], $0x10, s16, s11, $0xb8;
	[tilespmem:$0xDD10] =	vst v63  }
0x5e: {  	v0 =	vld [tilespmem:$0xDD00];
	_ =	swait.ge [sflag:s18], $0x800  }
0x5f: {  	[sflag:s18] =	ssyncset.done $0x0  }
0x60: {  	[sflag:s18] =	ssyncadd.s32 $0xFFFFF800  }
0x61: {  	_ =	swait.ge [sflag:s18], $0x800  }
0x62: {  	[sflag:s18] =	ssyncset.done $0x0  }
0x63: {  	[sflag:s18] =	ssyncadd.s32 $0xFFFFF800  }
0x64: {  	_ =	swait.ge [sflag:s18], $0x800  }
0x65: {  	[sflag:s18] =	ssyncset.done $0x0  }
0x66: {  	[sflag:s18] =	ssyncadd.s32 $0xFFFFF800  }
0x67: {  	_ =	swait.ge [sflag:s18], $0x800  }
0x68: {  	[sflag:s18] =	ssyncset.done $0x0  }
0x69: {  	[sflag:s18] =	ssyncadd.s32 $0xFFFFF800  }
0x6a: {  	_ =	swait.ge [sflag:s18], $0x800  }
0x6b: {  	[sflag:s18] =	ssyncset.done $0x0  }
0x6c: {  	[sflag:s18] =	ssyncadd.s32 $0xFFFFF800  }
0x6d: {  	_ =	swait.ge [sflag:s18], $0x800  }
0x6e: {  	[sflag:s18] =	ssyncset.done $0x0  }
0x6f: {  	[sflag:s18] =	ssyncadd.s32 $0xFFFFF800  }
0x70: {  	_ =	swait.ge [sflag:s18], $0x800  }
0x71: {  	[sflag:s18] =	ssyncset.done $0x0  }
0x72: {  	[sflag:s18] =	ssyncadd.s32 $0xFFFFF800  }
0x73: {  	_ =	swait.ge [sflag:s18], $0x800  }
0x74: {  	[sflag:s18] =	ssyncset.done $0x0  }
0x75: {  	[sflag:s18] =	ssyncadd.s32 $0xFFFFF800  }
0x76: {  	_ =	swait.ge [sflag:s18], $0x800  }
0x77: {  	[sflag:s18] =	ssyncset.done $0x0  }
0x78: {  	[sflag:s18] =	ssyncadd.s32 $0xFFFFF800  }
0x79: {  	_ =	swait.ge [sflag:s18], $0x800  }
0x7a: {  	[sflag:s18] =	ssyncset.done $0x0  }
0x7b: {  	[sflag:s18] =	ssyncadd.s32 $0xFFFFF800  }
0x7c: {  	_ =	swait.ge [sflag:s18], $0x800  }
0x7d: {  	[sflag:s18] =	ssyncset.done $0x0  }
0x7e: {  	[sflag:s18] =	ssyncadd.s32 $0xFFFFF800  }
0x7f: {  	_ =	swait.ge [sflag:s18], $0x800  }
0x80: {  	[sflag:s18] =	ssyncset.done $0x0  }
0x81: {  	[sflag:s18] =	ssyncadd.s32 $0xFFFFF800  }
0x82: {  	_ =	swait.ge [sflag:s18], $0x800  }
0x83: {  	[sflag:s18] =	ssyncset.done $0x0  }
0x84: {  	[sflag:s18] =	ssyncadd.s32 $0xFFFFF800  }
0x85: {  	_ =	swait.ge [sflag:s18], $0x800  }
0x86: {  	[sflag:s18] =	ssyncset.done $0x0  }
0x87: {  	[sflag:s18] =	ssyncadd.s32 $0xFFFFF800  }
0x88: {  	_ =	swait.ge [sflag:s18], $0x800  }
0x89: {  	[sflag:s18] =	ssyncset.done $0x0  }
0x8a: {  	[sflag:s18] =	ssyncadd.s32 $0xFFFFF800  }
0x8b: {  	_ =	swait.ge [sflag:s18], $0x800  }
0x8c: {  	[sflag:s18] =	ssyncset.done $0x0  }
0x8d: {  	[sflag:s18] =	ssyncadd.s32 $0xFFFFF800  }
0x8e: {  	_ =	swait.ge [sflag:s18], $0x800  }
0x8f: {  	[sflag:s18] =	ssyncset.done $0x0  }
0x90: {  	[sflag:s18] =	ssyncadd.s32 $0xFFFFF800  }
0x91: {  	_ =	swait.ge [sflag:s18], $0x800  }
0x92: {  	[sflag:s18] =	ssyncset.done $0x0  }
0x93: {  	[sflag:s18] =	ssyncadd.s32 $0xFFFFF800  }
0x94: {  	_ =	swait.ge [sflag:s18], $0x800  }
0x95: {  	[sflag:s18] =	ssyncset.done $0x0  }
0x96: {  	[sflag:s18] =	ssyncadd.s32 $0xFFFFF800  }
0x97: {  	_ =	swait.ge [sflag:s18], $0x800  }
0x98: {  	[sflag:s18] =	ssyncset.done $0x0  }
0x99: {  	[sflag:s18] =	ssyncadd.s32 $0xFFFFF800  }
0x9a: {  	_ =	swait.ge [sflag:s18], $0x800  }
0x9b: {  	[sflag:s18] =	ssyncset.done $0x0  }
0x9c: {  	[sflag:s18] =	ssyncadd.s32 $0xFFFFF800  }
0x9d: {  	_ =	swait.ge [sflag:s18], $0x800  }
0x9e: {  	[sflag:s18] =	ssyncset.done $0x0  }
0x9f: {  	[sflag:s18] =	ssyncadd.s32 $0xFFFFF800  }
0xa0: {  	_ =	swait.ge [sflag:s18], $0x800  }
0xa1: {  	[sflag:s18] =	ssyncset.done $0x0  }
0xa2: {  	[sflag:s18] =	ssyncadd.s32 $0xFFFFF800  }
0xa3: {  	_ =	swait.ge [sflag:s18], $0x800  }
0xa4: {  	[sflag:s18] =	ssyncset.done $0x0  }
0xa5: {  	[sflag:s18] =	ssyncadd.s32 $0xFFFFF800  }
0xa6: {  	v0 =	vsub.f32 $0.0e+00, v0;
	_ =	swait.ge [sflag:s18], $0x800  }
0xa7: {  	[sflag:s18] =	ssyncset.done $0x0  }
0xa8: {  	v0 =	vmul.f32 $1.442695020e+00, v0;
	[sflag:s18] =	ssyncadd.s32 $0xFFFFF800  }
0xa9: {  	_ =	swait.ge [sflag:s18], $0x800  }
0xaa: {  	(erf) = vpow2.f32 v0;
	_ =	sdelay $0x8  }
0xab: {  	v0 =	vpop (erf)  }
0xac: {  	v0 =	vadd.f32 $1.000000000e+00, v0;
	_ =	sdelay $0x1  }
0xad: {  	(erf) = vrcp.f32 v0;
	_ =	sdelay $0x8  }
0xae: {  	[sflag:s18] =	ssyncset.done $0x0;
	v0 =	vpop (erf)  }
0xaf: {  	s8 =	simm.s32 $0x40;
	s20 =	simm.s32 $0x0;
	[sflag:s18] =	ssyncadd.s32 $0xFFFFF800;
	v1 =	vsub.f32 $0.0e+00, v0  }
.LBB2_4:
0xb0: {  	p0 =	sne.s32 s8, $0x33FC0;
	v2 =	vld [tilespmem:s20+$0xD00];
	_ =	sdelay $0x4  }
.Ltmp1:
0xb1: {  	v3 =	vmax.f32 v2, v1;
	(pc) =	sbr.rel @p0 .LBB2_4-.Ltmp1, $3  }
0xb2: {  	v3 =	vmin.f32 v3, v0  }
0xb3: {  	v2 =	vsub.f32 v2, v3;
	_ =	sdelay $0x1  }
0xb4: {  	[tilespmem:s20+$0xD00] =	vst v2;
	s20 =	sshra.s32 s8, $0x2;
	s8 =	sadd.s32 $0x40, s8  }
0xb5: {  	v2 =	vld [tilespmem:s20+$0xD00];
	_ =	sdelay $0x4  }
0xb6: {  	v1 =	vmax.f32 v2, v1  }
0xb7: {  	v0 =	vmin.f32 v1, v0  }
0xb8: {  	s19 =	sadd.s32 $0x1, s19;
	v0 =	vsub.f32 v2, v0  }
0xb9: {  	p0 =	sne.s32 s19, s7  }
.Ltmp2:
0xba: {  	[tilespmem:s20+$0xD00] =	vst v0;
	(pc) =	sbr.rel @p0 .LBB2_1-.Ltmp2, $4  }
0xbb: {  	[hbm4b:s6+s3] =	stream.linear.scatter [tilespmem:s12], [sflag:$0x2], $0xD000, $0x38;
	[tilespmem:$0xDD10] =	vst v63  }
0xbc: {  	_ =	swait.ge [sflag:s9], $0xD000  }
0xbd: {  	[sflag:s9] =	ssyncset.done $0x0  }
0xbe: {  	[sflag:s9] =	ssyncadd.s32 $0xFFFF3000  }
0xbf: {  	_ =	sfence.sel $0x180000  }
0xc0: {  	[bflag:$0x0] =	sbarrier.arrive $0xFFFF  }
0xc1: {  	_ =	strace $0x90000047  }
0xc2: {  	s0 =	stileid.u32;
	[bflag:$0x2] =	sbarrier.arrive $0xFFFF  }
0xc3: {  	p0 =	sne.s32 s0, $0x0;
	s0 =	rddreg [dreg:$0x3]  }
0xc4: {  	s0 =	sadd.s32 @!p0 $0x100000, s0  }
0xc5: {  	[sflag:s0] =	ssyncadd.tile.s32 @!p0 $0x1;
	_ =	shalt  }
.Lfunc_end2:
_tile_overlayer_lowered:
.L_overlay_start_2:
0xc6: {  	(tag) =	ssettag $0x2  }
0xc7: {  	s0 =	rddreg [dreg:$0x0];
	s2 =	stileid.u32  }
0xc8: {  	s1 =	rddreg [dreg:$0x1];
	p0 =	sne.s32 s2, $0x0  }
0xc9: {  	s3 =	rddreg [dreg:$0x2];
	[bflag:$0x3] =	sbarrier.arrive $0xFFFF;
	s2 =	simm.s32 @!p0 $0x1C02  }
0xca: {  	[timem:s3], [sflag:s2] =	dma.local @!p0 [hbm:s0], s1  }
0xcb: {  	s0 =	simm.s32 @!p0 $0x2  }
0xcc: {  	_ =	swait.ge @!p0 [sflag:s0], s1  }
0xcd: {  	s1 =	ssub.s32 @!p0 $0x0, s1;
	[sflag:s0] =	ssyncset.done @!p0 $0x0  }
0xce: {  	[sflag:s0] =	ssyncadd.s32 @!p0 s1  }
0xcf: {  	[bflag:$0x3] =	sbarrier.arrive $0xFFFF  }
0xd0: {  	_ =	shalt  }

</sc_bundles>
